<compile_context>
chip_gen: v7x
topology: tpu7x:2x2x1
jax: 0.10.2.dev20260603
libtpu: 0.0.44.dev20260713+nightly
codegen_flags: <defaults>
</compile_context>

<pallas_src>
import functools

import jax
import jax.numpy as jnp
from jax import lax
from jax.experimental import pallas as pl
from jax.experimental.pallas import tpu as pltpu
from jax.experimental.pallas import tpu_sc as plsc

_BATCH = 16384
_NPOS = 200
_NC, _NS = 2, 16
_NW = _NC * _NS
_CW = 128
_NG = _CW // 16

_SC_COLS = _NW * _CW
_TC_COLS = _BATCH - _SC_COLS
_CB = 4096
_TC_OFF = _SC_COLS // _CB


def _sc_body(pos_hbm, emb_hbm, out_hbm, emb_v, buf, out_v, sem):
    c = lax.axis_index("c")
    s = lax.axis_index("s")
    wid = s * _NC + c
    base = wid * _CW
    pltpu.async_copy(pos_hbm.at[:, pl.ds(base, _CW)], buf, sem)
    pltpu.sync_copy(emb_hbm, emb_v)
    lane = lax.iota(jnp.int32, 16)
    lanes = [lane + (g * 16) for g in range(_NG)]
    neg_inf = jnp.full((16,), -jnp.inf, jnp.float32)
    zero = jnp.zeros((16,), jnp.int32)
    pltpu.make_async_copy(pos_hbm.at[:, pl.ds(base, _CW)], buf, sem).wait()

    def jstep(j, carry):
        jv = jnp.full((16,), j, jnp.int32)
        out = []
        for g in range(_NG):
            cur, idx = carry[2 * g], carry[2 * g + 1]
            v = plsc.load_gather(buf, [jv, lanes[g]])
            cond = v > cur
            out.append(jnp.where(cond, v, cur))
            out.append(jnp.where(cond, jv, idx))
        return tuple(out)

    init = tuple(x for _ in range(_NG) for x in (neg_inf, zero))
    carry = lax.fori_loop(0, _NPOS, jstep, init, unroll=4)
    for g in range(_NG):
        out_v[pl.ds(g * 16, 16)] = plsc.load_gather(emb_v, [carry[2 * g + 1]])
    pltpu.sync_copy(out_v, out_hbm.at[pl.ds(base, _CW)])


def _sc_argmax_embed(pos_t, embedding):
    return pl.kernel(
        _sc_body,
        out_type=jax.ShapeDtypeStruct((_SC_COLS,), jnp.float32),
        mesh=plsc.VectorSubcoreMesh(
            core_axis_name="c", subcore_axis_name="s",
            num_cores=_NC, num_subcores=_NS),
        compiler_params=pltpu.CompilerParams(
            use_tc_tiling_on_sc=True, needs_layout_passes=False),
        scratch_types=[
            pltpu.VMEM((_NPOS,), jnp.float32),
            pltpu.VMEM((_NPOS, _CW), jnp.float32),
            pltpu.VMEM((_CW,), jnp.float32),
            pltpu.SemaphoreType.DMA,
        ],
    )(pos_t, embedding)


def _tc_body(pos_ref, emb_ref, out_ref):
    pos = pos_ref[...]
    m = jnp.max(pos, axis=0, keepdims=True)
    row = lax.broadcasted_iota(jnp.int32, pos.shape, 0)
    cand = jnp.where(pos == m, row, _NPOS)
    idx = jnp.min(cand, axis=0, keepdims=True)
    emb = emb_ref[...]
    val = jnp.max(jnp.where(row == idx, emb, -jnp.inf), axis=0, keepdims=True)
    out_ref[...] = val


def _tc_argmax_embed(pos_t, embedding):
    emb2d = embedding.reshape(_NPOS, 1)
    out = pl.pallas_call(
        _tc_body,
        grid=(_TC_COLS // _CB,),
        in_specs=[
            pl.BlockSpec((_NPOS, _CB), lambda i: (0, i + _TC_OFF)),
            pl.BlockSpec((_NPOS, 1), lambda i: (0, 0)),
        ],
        out_specs=pl.BlockSpec((1, _CB), lambda i: (0, i)),
        out_shape=jax.ShapeDtypeStruct((1, _TC_COLS), jnp.float32),
    )(pos_t, emb2d)
    return out.reshape(_TC_COLS)


@jax.jit
def kernel(position, embedding):
    pos_t = position.T
    sc_out = _sc_argmax_embed(pos_t, embedding)
    tc_out = _tc_argmax_embed(pos_t, embedding)
    return jnp.concatenate([sc_out, tc_out])

# --- scband reference (transcript-rebuilt; emitter-appended) ---
"""Pipeline reference for scband-bias-embedding-37701222924642 (READ-ONLY COPY).

The authoritative reference and input builder live on the scoring server;
editing this copy changes nothing except your own understanding.
"""

import jax, jax.numpy as jnp
import numpy as np

BATCH = 16384
NUM_POSITIONS = 200

def setup_inputs(seed: int = 0) -> dict:
    key = jax.random.key(seed)
    k1, k2 = jax.random.split(key)
    # one-hot-like position encoding; argmax picks the position index
    position = jax.random.uniform(k1, (BATCH, NUM_POSITIONS), dtype=jnp.float32)
    # stands in for pd.read_csv(embedding_file)['propensity'] -> 1D propensity table
    embedding = jax.random.uniform(k2, (NUM_POSITIONS,), dtype=jnp.float32)
    return {"position": position, "embedding": embedding}

def reference(position, embedding):
    # BiasEmbedding.__call__: inds = argmax(x['position'], axis=-1); return embedding[inds]
    inds = jnp.argmax(position, axis=-1)
    return jnp.take(embedding, inds, axis=0)

if __name__ == "__main__":
    import jax
    _d = setup_inputs()
    print(jax.jit(kernel)(*tuple(_d.values())))

</pallas_src>

<mosaic_0001>
#map = affine_map<(d0, d1) -> (0, 0)>
#map1 = affine_map<(d0, d1) -> (0)>
module attributes {stable_mosaic.version = 14 : i64} {
  func.func @_sc_body(%arg0: i32, %arg1: i32, %arg2: memref<200x16384xf32, #tpu.memory_space<hbm>>, %arg3: memref<200xf32, #tpu.memory_space<hbm>>, %arg4: memref<4096xf32, #tpu.memory_space<hbm>>, %arg5: memref<200xf32, #tpu.memory_space<vmem>>, %arg6: memref<200x128xf32, #tpu.memory_space<vmem>>, %arg7: memref<128xf32, #tpu.memory_space<vmem>>, %arg8: memref<!tpu.dma_semaphore, #tpu.memory_space<semaphore_mem>>) attributes {dimension_semantics = [#tpu.dimension_semantics<core_parallel>, #tpu.dimension_semantics<subcore_parallel>], iteration_bounds = array<i64: 2, 16>, scalar_prefetch = 0 : i64, scratch_operands = 4 : i64, tpu.core_type = #tpu.core_type<sc_vector_subcore>, window_params = [{transform_indices = #map}, {transform_indices = #map1}, {transform_indices = #map1}]} {
    %mul3A = arith.constant 2 : i32
    %mul3A_0 = arith.muli %arg1, %mul3A : i32
    %add3A = arith.addi %mul3A_0, %arg0 : i32
    %mul3A_1 = arith.constant 128 : i32
    %mul3A_2 = arith.muli %add3A, %mul3A_1 : i32
    %dma_start3A = arith.constant 0 : i32
    %dma_start3A_3 = tpu.memref_slice %arg2[%dma_start3A, %mul3A_2] : memref<200x16384xf32, #tpu.memory_space<hbm>> -> memref<200x128xf32, #tpu.memory_space<hbm>>
    %dma_start3A_4 = arith.constant 0 : i32
    %dma_start3A_5 = tpu.memref_slice %arg2[%dma_start3A_4, %mul3A_2] : memref<200x16384xf32, #tpu.memory_space<hbm>> -> memref<200x128xf32, #tpu.memory_space<hbm>>
    tpu.enqueue_dma source(%dma_start3A_5 : memref<200x128xf32, #tpu.memory_space<hbm>>) target(%arg6 : memref<200x128xf32, #tpu.memory_space<vmem>>) target_semaphore(%arg8 : memref<!tpu.dma_semaphore, #tpu.memory_space<semaphore_mem>>)
    "tpu.region"() ({
      %run_scoped3A = tpu.sem_alloc : memref<!tpu.dma_semaphore, #tpu.memory_space<semaphore_mem>>
      tpu.enqueue_dma source(%arg3 : memref<200xf32, #tpu.memory_space<hbm>>) target(%arg5 : memref<200xf32, #tpu.memory_space<vmem>>) target_semaphore(%run_scoped3A : memref<!tpu.dma_semaphore, #tpu.memory_space<semaphore_mem>>)
      tpu.wait_dma2 semaphore(%run_scoped3A : memref<!tpu.dma_semaphore, #tpu.memory_space<semaphore_mem>>) src(%arg3 : memref<200xf32, #tpu.memory_space<hbm>>) dst(%arg5 : memref<200xf32, #tpu.memory_space<vmem>>)
      tpu.yield
    }) : () -> ()
    %iota3A = tpu.iota {dimensions = array<i32: 0>} : vector<16xi32>
    %add3A_6 = arith.constant 0 : i32
    %add3A_7 = vector.broadcast %add3A_6 : i32 to vector<16xi32>
    %add3A_8 = arith.addi %iota3A, %add3A_7 : vector<16xi32>
    %add3A_9 = arith.constant 16 : i32
    %add3A_10 = vector.broadcast %add3A_9 : i32 to vector<16xi32>
    %add3A_11 = arith.addi %iota3A, %add3A_10 : vector<16xi32>
    %add3A_12 = arith.constant 32 : i32
    %add3A_13 = vector.broadcast %add3A_12 : i32 to vector<16xi32>
    %add3A_14 = arith.addi %iota3A, %add3A_13 : vector<16xi32>
    %add3A_15 = arith.constant 48 : i32
    %add3A_16 = vector.broadcast %add3A_15 : i32 to vector<16xi32>
    %add3A_17 = arith.addi %iota3A, %add3A_16 : vector<16xi32>
    %add3A_18 = arith.constant 64 : i32
    %add3A_19 = vector.broadcast %add3A_18 : i32 to vector<16xi32>
    %add3A_20 = arith.addi %iota3A, %add3A_19 : vector<16xi32>
    %add3A_21 = arith.constant 80 : i32
    %add3A_22 = vector.broadcast %add3A_21 : i32 to vector<16xi32>
    %add3A_23 = arith.addi %iota3A, %add3A_22 : vector<16xi32>
    %add3A_24 = arith.constant 96 : i32
    %add3A_25 = vector.broadcast %add3A_24 : i32 to vector<16xi32>
    %add3A_26 = arith.addi %iota3A, %add3A_25 : vector<16xi32>
    %add3A_27 = arith.constant 112 : i32
    %add3A_28 = vector.broadcast %add3A_27 : i32 to vector<16xi32>
    %add3A_29 = arith.addi %iota3A, %add3A_28 : vector<16xi32>
    %broadcast_in_dim3A = arith.constant 0xFF800000 : f32
    %broadcast_in_dim3A_30 = vector.broadcast %broadcast_in_dim3A : f32 to vector<16xf32>
    %broadcast_in_dim3A_31 = arith.constant 0 : i32
    %broadcast_in_dim3A_32 = vector.broadcast %broadcast_in_dim3A_31 : i32 to vector<16xi32>
    %dma_wait3A = arith.constant 0 : i32
    %dma_wait3A_33 = tpu.memref_slice %arg2[%dma_wait3A, %mul3A_2] : memref<200x16384xf32, #tpu.memory_space<hbm>> -> memref<200x128xf32, #tpu.memory_space<hbm>>
    %dma_wait3A_34 = arith.constant 0 : i32
    %dma_wait3A_35 = tpu.memref_slice %arg2[%dma_wait3A_34, %mul3A_2] : memref<200x16384xf32, #tpu.memory_space<hbm>> -> memref<200x128xf32, #tpu.memory_space<hbm>>
    tpu.wait_dma2 semaphore(%arg8 : memref<!tpu.dma_semaphore, #tpu.memory_space<semaphore_mem>>) src(%dma_wait3A_35 : memref<200x128xf32, #tpu.memory_space<hbm>>) dst(%arg6 : memref<200x128xf32, #tpu.memory_space<vmem>>)
    %scan3A = arith.constant 0 : i32
    %scan3A_36 = arith.constant 200 : i32
    %scan3A_37 = arith.addi %scan3A, %scan3A_36 : i32
    %scan3A_38 = arith.constant 4 : i32
    %scan3A_39:16 = scf.for %scan3A_63 = %scan3A to %scan3A_37 step %scan3A_38 iter_args(%scan3A_64 = %broadcast_in_dim3A_30, %scan3A_65 = %broadcast_in_dim3A_32, %scan3A_66 = %broadcast_in_dim3A_30, %scan3A_67 = %broadcast_in_dim3A_32, %scan3A_68 = %broadcast_in_dim3A_30, %scan3A_69 = %broadcast_in_dim3A_32, %scan3A_70 = %broadcast_in_dim3A_30, %scan3A_71 = %broadcast_in_dim3A_32, %scan3A_72 = %broadcast_in_dim3A_30, %scan3A_73 = %broadcast_in_dim3A_32, %scan3A_74 = %broadcast_in_dim3A_30, %scan3A_75 = %broadcast_in_dim3A_32, %scan3A_76 = %broadcast_in_dim3A_30, %scan3A_77 = %broadcast_in_dim3A_32, %scan3A_78 = %broadcast_in_dim3A_30, %scan3A_79 = %broadcast_in_dim3A_32) -> (vector<16xf32>, vector<16xi32>, vector<16xf32>, vector<16xi32>, vector<16xf32>, vector<16xi32>, vector<16xf32>, vector<16xi32>, vector<16xf32>, vector<16xi32>, vector<16xf32>, vector<16xi32>, vector<16xf32>, vector<16xi32>, vector<16xf32>, vector<16xi32>)  : i32 {
      %broadcast_in_dim3A_80 = vector.broadcast %scan3A_63 : i32 to vector<16xi32>
      %gather3A_81 = tpu.vector_load_idx %arg6[%broadcast_in_dim3A_80, %add3A_8] : memref<200x128xf32, #tpu.memory_space<vmem>>[vector<16xi32>, vector<16xi32>], vector<16xf32>,
      %gt3A = arith.cmpf ogt, %gather3A_81, %scan3A_64 : vector<16xf32>
      %select_n3A = arith.select %gt3A, %gather3A_81, %scan3A_64 : vector<16xi1>, vector<16xf32>
      %select_n3A_82 = arith.select %gt3A, %broadcast_in_dim3A_80, %scan3A_65 : vector<16xi1>, vector<16xi32>
      %gather3A_83 = tpu.vector_load_idx %arg6[%broadcast_in_dim3A_80, %add3A_11] : memref<200x128xf32, #tpu.memory_space<vmem>>[vector<16xi32>, vector<16xi32>], vector<16xf32>,
      %gt3A_84 = arith.cmpf ogt, %gather3A_83, %scan3A_66 : vector<16xf32>
      %select_n3A_85 = arith.select %gt3A_84, %gather3A_83, %scan3A_66 : vector<16xi1>, vector<16xf32>
      %select_n3A_86 = arith.select %gt3A_84, %broadcast_in_dim3A_80, %scan3A_67 : vector<16xi1>, vector<16xi32>
      %gather3A_87 = tpu.vector_load_idx %arg6[%broadcast_in_dim3A_80, %add3A_14] : memref<200x128xf32, #tpu.memory_space<vmem>>[vector<16xi32>, vector<16xi32>], vector<16xf32>,
      %gt3A_88 = arith.cmpf ogt, %gather3A_87, %scan3A_68 : vector<16xf32>
      %select_n3A_89 = arith.select %gt3A_88, %gather3A_87, %scan3A_68 : vector<16xi1>, vector<16xf32>
      %select_n3A_90 = arith.select %gt3A_88, %broadcast_in_dim3A_80, %scan3A_69 : vector<16xi1>, vector<16xi32>
      %gather3A_91 = tpu.vector_load_idx %arg6[%broadcast_in_dim3A_80, %add3A_17] : memref<200x128xf32, #tpu.memory_space<vmem>>[vector<16xi32>, vector<16xi32>], vector<16xf32>,
      %gt3A_92 = arith.cmpf ogt, %gather3A_91, %scan3A_70 : vector<16xf32>
      %select_n3A_93 = arith.select %gt3A_92, %gather3A_91, %scan3A_70 : vector<16xi1>, vector<16xf32>
      %select_n3A_94 = arith.select %gt3A_92, %broadcast_in_dim3A_80, %scan3A_71 : vector<16xi1>, vector<16xi32>
      %gather3A_95 = tpu.vector_load_idx %arg6[%broadcast_in_dim3A_80, %add3A_20] : memref<200x128xf32, #tpu.memory_space<vmem>>[vector<16xi32>, vector<16xi32>], vector<16xf32>,
      %gt3A_96 = arith.cmpf ogt, %gather3A_95, %scan3A_72 : vector<16xf32>
      %select_n3A_97 = arith.select %gt3A_96, %gather3A_95, %scan3A_72 : vector<16xi1>, vector<16xf32>
      %select_n3A_98 = arith.select %gt3A_96, %broadcast_in_dim3A_80, %scan3A_73 : vector<16xi1>, vector<16xi32>
      %gather3A_99 = tpu.vector_load_idx %arg6[%broadcast_in_dim3A_80, %add3A_23] : memref<200x128xf32, #tpu.memory_space<vmem>>[vector<16xi32>, vector<16xi32>], vector<16xf32>,
      %gt3A_100 = arith.cmpf ogt, %gather3A_99, %scan3A_74 : vector<16xf32>
      %select_n3A_101 = arith.select %gt3A_100, %gather3A_99, %scan3A_74 : vector<16xi1>, vector<16xf32>
      %select_n3A_102 = arith.select %gt3A_100, %broadcast_in_dim3A_80, %scan3A_75 : vector<16xi1>, vector<16xi32>
      %gather3A_103 = tpu.vector_load_idx %arg6[%broadcast_in_dim3A_80, %add3A_26] : memref<200x128xf32, #tpu.memory_space<vmem>>[vector<16xi32>, vector<16xi32>], vector<16xf32>,
      %gt3A_104 = arith.cmpf ogt, %gather3A_103, %scan3A_76 : vector<16xf32>
      %select_n3A_105 = arith.select %gt3A_104, %gather3A_103, %scan3A_76 : vector<16xi1>, vector<16xf32>
      %select_n3A_106 = arith.select %gt3A_104, %broadcast_in_dim3A_80, %scan3A_77 : vector<16xi1>, vector<16xi32>
      %gather3A_107 = tpu.vector_load_idx %arg6[%broadcast_in_dim3A_80, %add3A_29] : memref<200x128xf32, #tpu.memory_space<vmem>>[vector<16xi32>, vector<16xi32>], vector<16xf32>,
      %gt3A_108 = arith.cmpf ogt, %gather3A_107, %scan3A_78 : vector<16xf32>
      %select_n3A_109 = arith.select %gt3A_108, %gather3A_107, %scan3A_78 : vector<16xi1>, vector<16xf32>
      %select_n3A_110 = arith.select %gt3A_108, %broadcast_in_dim3A_80, %scan3A_79 : vector<16xi1>, vector<16xi32>
      %scan3A_111 = arith.constant 1 : i32
      %scan3A_112 = arith.addi %scan3A_63, %scan3A_111 : i32
      %broadcast_in_dim3A_113 = vector.broadcast %scan3A_112 : i32 to vector<16xi32>
      %gather3A_114 = tpu.vector_load_idx %arg6[%broadcast_in_dim3A_113, %add3A_8] : memref<200x128xf32, #tpu.memory_space<vmem>>[vector<16xi32>, vector<16xi32>], vector<16xf32>,
      %gt3A_115 = arith.cmpf ogt, %gather3A_114, %select_n3A : vector<16xf32>
      %select_n3A_116 = arith.select %gt3A_115, %gather3A_114, %select_n3A : vector<16xi1>, vector<16xf32>
      %select_n3A_117 = arith.select %gt3A_115, %broadcast_in_dim3A_113, %select_n3A_82 : vector<16xi1>, vector<16xi32>
      %gather3A_118 = tpu.vector_load_idx %arg6[%broadcast_in_dim3A_113, %add3A_11] : memref<200x128xf32, #tpu.memory_space<vmem>>[vector<16xi32>, vector<16xi32>], vector<16xf32>,
      %gt3A_119 = arith.cmpf ogt, %gather3A_118, %select_n3A_85 : vector<16xf32>
      %select_n3A_120 = arith.select %gt3A_119, %gather3A_118, %select_n3A_85 : vector<16xi1>, vector<16xf32>
      %select_n3A_121 = arith.select %gt3A_119, %broadcast_in_dim3A_113, %select_n3A_86 : vector<16xi1>, vector<16xi32>
      %gather3A_122 = tpu.vector_load_idx %arg6[%broadcast_in_dim3A_113, %add3A_14] : memref<200x128xf32, #tpu.memory_space<vmem>>[vector<16xi32>, vector<16xi32>], vector<16xf32>,
      %gt3A_123 = arith.cmpf ogt, %gather3A_122, %select_n3A_89 : vector<16xf32>
      %select_n3A_124 = arith.select %gt3A_123, %gather3A_122, %select_n3A_89 : vector<16xi1>, vector<16xf32>
      %select_n3A_125 = arith.select %gt3A_123, %broadcast_in_dim3A_113, %select_n3A_90 : vector<16xi1>, vector<16xi32>
      %gather3A_126 = tpu.vector_load_idx %arg6[%broadcast_in_dim3A_113, %add3A_17] : memref<200x128xf32, #tpu.memory_space<vmem>>[vector<16xi32>, vector<16xi32>], vector<16xf32>,
      %gt3A_127 = arith.cmpf ogt, %gather3A_126, %select_n3A_93 : vector<16xf32>
      %select_n3A_128 = arith.select %gt3A_127, %gather3A_126, %select_n3A_93 : vector<16xi1>, vector<16xf32>
      %select_n3A_129 = arith.select %gt3A_127, %broadcast_in_dim3A_113, %select_n3A_94 : vector<16xi1>, vector<16xi32>
      %gather3A_130 = tpu.vector_load_idx %arg6[%broadcast_in_dim3A_113, %add3A_20] : memref<200x128xf32, #tpu.memory_space<vmem>>[vector<16xi32>, vector<16xi32>], vector<16xf32>,
      %gt3A_131 = arith.cmpf ogt, %gather3A_130, %select_n3A_97 : vector<16xf32>
      %select_n3A_132 = arith.select %gt3A_131, %gather3A_130, %select_n3A_97 : vector<16xi1>, vector<16xf32>
      %select_n3A_133 = arith.select %gt3A_131, %broadcast_in_dim3A_113, %select_n3A_98 : vector<16xi1>, vector<16xi32>
      %gather3A_134 = tpu.vector_load_idx %arg6[%broadcast_in_dim3A_113, %add3A_23] : memref<200x128xf32, #tpu.memory_space<vmem>>[vector<16xi32>, vector<16xi32>], vector<16xf32>,
      %gt3A_135 = arith.cmpf ogt, %gather3A_134, %select_n3A_101 : vector<16xf32>
      %select_n3A_136 = arith.select %gt3A_135, %gather3A_134, %select_n3A_101 : vector<16xi1>, vector<16xf32>
      %select_n3A_137 = arith.select %gt3A_135, %broadcast_in_dim3A_113, %select_n3A_102 : vector<16xi1>, vector<16xi32>
      %gather3A_138 = tpu.vector_load_idx %arg6[%broadcast_in_dim3A_113, %add3A_26] : memref<200x128xf32, #tpu.memory_space<vmem>>[vector<16xi32>, vector<16xi32>], vector<16xf32>,
      %gt3A_139 = arith.cmpf ogt, %gather3A_138, %select_n3A_105 : vector<16xf32>
      %select_n3A_140 = arith.select %gt3A_139, %gather3A_138, %select_n3A_105 : vector<16xi1>, vector<16xf32>
      %select_n3A_141 = arith.select %gt3A_139, %broadcast_in_dim3A_113, %select_n3A_106 : vector<16xi1>, vector<16xi32>
      %gather3A_142 = tpu.vector_load_idx %arg6[%broadcast_in_dim3A_113, %add3A_29] : memref<200x128xf32, #tpu.memory_space<vmem>>[vector<16xi32>, vector<16xi32>], vector<16xf32>,
      %gt3A_143 = arith.cmpf ogt, %gather3A_142, %select_n3A_109 : vector<16xf32>
      %select_n3A_144 = arith.select %gt3A_143, %gather3A_142, %select_n3A_109 : vector<16xi1>, vector<16xf32>
      %select_n3A_145 = arith.select %gt3A_143, %broadcast_in_dim3A_113, %select_n3A_110 : vector<16xi1>, vector<16xi32>
      %scan3A_146 = arith.constant 2 : i32
      %scan3A_147 = arith.addi %scan3A_63, %scan3A_146 : i32
      %broadcast_in_dim3A_148 = vector.broadcast %scan3A_147 : i32 to vector<16xi32>
      %gather3A_149 = tpu.vector_load_idx %arg6[%broadcast_in_dim3A_148, %add3A_8] : memref<200x128xf32, #tpu.memory_space<vmem>>[vector<16xi32>, vector<16xi32>], vector<16xf32>,
      %gt3A_150 = arith.cmpf ogt, %gather3A_149, %select_n3A_116 : vector<16xf32>
      %select_n3A_151 = arith.select %gt3A_150, %gather3A_149, %select_n3A_116 : vector<16xi1>, vector<16xf32>
      %select_n3A_152 = arith.select %gt3A_150, %broadcast_in_dim3A_148, %select_n3A_117 : vector<16xi1>, vector<16xi32>
      %gather3A_153 = tpu.vector_load_idx %arg6[%broadcast_in_dim3A_148, %add3A_11] : memref<200x128xf32, #tpu.memory_space<vmem>>[vector<16xi32>, vector<16xi32>], vector<16xf32>,
      %gt3A_154 = arith.cmpf ogt, %gather3A_153, %select_n3A_120 : vector<16xf32>
      %select_n3A_155 = arith.select %gt3A_154, %gather3A_153, %select_n3A_120 : vector<16xi1>, vector<16xf32>
      %select_n3A_156 = arith.select %gt3A_154, %broadcast_in_dim3A_148, %select_n3A_121 : vector<16xi1>, vector<16xi32>
      %gather3A_157 = tpu.vector_load_idx %arg6[%broadcast_in_dim3A_148, %add3A_14] : memref<200x128xf32, #tpu.memory_space<vmem>>[vector<16xi32>, vector<16xi32>], vector<16xf32>,
      %gt3A_158 = arith.cmpf ogt, %gather3A_157, %select_n3A_124 : vector<16xf32>
      %select_n3A_159 = arith.select %gt3A_158, %gather3A_157, %select_n3A_124 : vector<16xi1>, vector<16xf32>
      %select_n3A_160 = arith.select %gt3A_158, %broadcast_in_dim3A_148, %select_n3A_125 : vector<16xi1>, vector<16xi32>
      %gather3A_161 = tpu.vector_load_idx %arg6[%broadcast_in_dim3A_148, %add3A_17] : memref<200x128xf32, #tpu.memory_space<vmem>>[vector<16xi32>, vector<16xi32>], vector<16xf32>,
      %gt3A_162 = arith.cmpf ogt, %gather3A_161, %select_n3A_128 : vector<16xf32>
      %select_n3A_163 = arith.select %gt3A_162, %gather3A_161, %select_n3A_128 : vector<16xi1>, vector<16xf32>
      %select_n3A_164 = arith.select %gt3A_162, %broadcast_in_dim3A_148, %select_n3A_129 : vector<16xi1>, vector<16xi32>
      %gather3A_165 = tpu.vector_load_idx %arg6[%broadcast_in_dim3A_148, %add3A_20] : memref<200x128xf32, #tpu.memory_space<vmem>>[vector<16xi32>, vector<16xi32>], vector<16xf32>,
      %gt3A_166 = arith.cmpf ogt, %gather3A_165, %select_n3A_132 : vector<16xf32>
      %select_n3A_167 = arith.select %gt3A_166, %gather3A_165, %select_n3A_132 : vector<16xi1>, vector<16xf32>
      %select_n3A_168 = arith.select %gt3A_166, %broadcast_in_dim3A_148, %select_n3A_133 : vector<16xi1>, vector<16xi32>
      %gather3A_169 = tpu.vector_load_idx %arg6[%broadcast_in_dim3A_148, %add3A_23] : memref<200x128xf32, #tpu.memory_space<vmem>>[vector<16xi32>, vector<16xi32>], vector<16xf32>,
      %gt3A_170 = arith.cmpf ogt, %gather3A_169, %select_n3A_136 : vector<16xf32>
      %select_n3A_171 = arith.select %gt3A_170, %gather3A_169, %select_n3A_136 : vector<16xi1>, vector<16xf32>
      %select_n3A_172 = arith.select %gt3A_170, %broadcast_in_dim3A_148, %select_n3A_137 : vector<16xi1>, vector<16xi32>
      %gather3A_173 = tpu.vector_load_idx %arg6[%broadcast_in_dim3A_148, %add3A_26] : memref<200x128xf32, #tpu.memory_space<vmem>>[vector<16xi32>, vector<16xi32>], vector<16xf32>,
      %gt3A_174 = arith.cmpf ogt, %gather3A_173, %select_n3A_140 : vector<16xf32>
      %select_n3A_175 = arith.select %gt3A_174, %gather3A_173, %select_n3A_140 : vector<16xi1>, vector<16xf32>
      %select_n3A_176 = arith.select %gt3A_174, %broadcast_in_dim3A_148, %select_n3A_141 : vector<16xi1>, vector<16xi32>
      %gather3A_177 = tpu.vector_load_idx %arg6[%broadcast_in_dim3A_148, %add3A_29] : memref<200x128xf32, #tpu.memory_space<vmem>>[vector<16xi32>, vector<16xi32>], vector<16xf32>,
      %gt3A_178 = arith.cmpf ogt, %gather3A_177, %select_n3A_144 : vector<16xf32>
      %select_n3A_179 = arith.select %gt3A_178, %gather3A_177, %select_n3A_144 : vector<16xi1>, vector<16xf32>
      %select_n3A_180 = arith.select %gt3A_178, %broadcast_in_dim3A_148, %select_n3A_145 : vector<16xi1>, vector<16xi32>
      %scan3A_181 = arith.constant 3 : i32
      %scan3A_182 = arith.addi %scan3A_63, %scan3A_181 : i32
      %broadcast_in_dim3A_183 = vector.broadcast %scan3A_182 : i32 to vector<16xi32>
      %gather3A_184 = tpu.vector_load_idx %arg6[%broadcast_in_dim3A_183, %add3A_8] : memref<200x128xf32, #tpu.memory_space<vmem>>[vector<16xi32>, vector<16xi32>], vector<16xf32>,
      %gt3A_185 = arith.cmpf ogt, %gather3A_184, %select_n3A_151 : vector<16xf32>
      %select_n3A_186 = arith.select %gt3A_185, %gather3A_184, %select_n3A_151 : vector<16xi1>, vector<16xf32>
      %select_n3A_187 = arith.select %gt3A_185, %broadcast_in_dim3A_183, %select_n3A_152 : vector<16xi1>, vector<16xi32>
      %gather3A_188 = tpu.vector_load_idx %arg6[%broadcast_in_dim3A_183, %add3A_11] : memref<200x128xf32, #tpu.memory_space<vmem>>[vector<16xi32>, vector<16xi32>], vector<16xf32>,
      %gt3A_189 = arith.cmpf ogt, %gather3A_188, %select_n3A_155 : vector<16xf32>
      %select_n3A_190 = arith.select %gt3A_189, %gather3A_188, %select_n3A_155 : vector<16xi1>, vector<16xf32>
      %select_n3A_191 = arith.select %gt3A_189, %broadcast_in_dim3A_183, %select_n3A_156 : vector<16xi1>, vector<16xi32>
      %gather3A_192 = tpu.vector_load_idx %arg6[%broadcast_in_dim3A_183, %add3A_14] : memref<200x128xf32, #tpu.memory_space<vmem>>[vector<16xi32>, vector<16xi32>], vector<16xf32>,
      %gt3A_193 = arith.cmpf ogt, %gather3A_192, %select_n3A_159 : vector<16xf32>
      %select_n3A_194 = arith.select %gt3A_193, %gather3A_192, %select_n3A_159 : vector<16xi1>, vector<16xf32>
      %select_n3A_195 = arith.select %gt3A_193, %broadcast_in_dim3A_183, %select_n3A_160 : vector<16xi1>, vector<16xi32>
      %gather3A_196 = tpu.vector_load_idx %arg6[%broadcast_in_dim3A_183, %add3A_17] : memref<200x128xf32, #tpu.memory_space<vmem>>[vector<16xi32>, vector<16xi32>], vector<16xf32>,
      %gt3A_197 = arith.cmpf ogt, %gather3A_196, %select_n3A_163 : vector<16xf32>
      %select_n3A_198 = arith.select %gt3A_197, %gather3A_196, %select_n3A_163 : vector<16xi1>, vector<16xf32>
      %select_n3A_199 = arith.select %gt3A_197, %broadcast_in_dim3A_183, %select_n3A_164 : vector<16xi1>, vector<16xi32>
      %gather3A_200 = tpu.vector_load_idx %arg6[%broadcast_in_dim3A_183, %add3A_20] : memref<200x128xf32, #tpu.memory_space<vmem>>[vector<16xi32>, vector<16xi32>], vector<16xf32>,
      %gt3A_201 = arith.cmpf ogt, %gather3A_200, %select_n3A_167 : vector<16xf32>
      %select_n3A_202 = arith.select %gt3A_201, %gather3A_200, %select_n3A_167 : vector<16xi1>, vector<16xf32>
      %select_n3A_203 = arith.select %gt3A_201, %broadcast_in_dim3A_183, %select_n3A_168 : vector<16xi1>, vector<16xi32>
      %gather3A_204 = tpu.vector_load_idx %arg6[%broadcast_in_dim3A_183, %add3A_23] : memref<200x128xf32, #tpu.memory_space<vmem>>[vector<16xi32>, vector<16xi32>], vector<16xf32>,
      %gt3A_205 = arith.cmpf ogt, %gather3A_204, %select_n3A_171 : vector<16xf32>
      %select_n3A_206 = arith.select %gt3A_205, %gather3A_204, %select_n3A_171 : vector<16xi1>, vector<16xf32>
      %select_n3A_207 = arith.select %gt3A_205, %broadcast_in_dim3A_183, %select_n3A_172 : vector<16xi1>, vector<16xi32>
      %gather3A_208 = tpu.vector_load_idx %arg6[%broadcast_in_dim3A_183, %add3A_26] : memref<200x128xf32, #tpu.memory_space<vmem>>[vector<16xi32>, vector<16xi32>], vector<16xf32>,
      %gt3A_209 = arith.cmpf ogt, %gather3A_208, %select_n3A_175 : vector<16xf32>
      %select_n3A_210 = arith.select %gt3A_209, %gather3A_208, %select_n3A_175 : vector<16xi1>, vector<16xf32>
      %select_n3A_211 = arith.select %gt3A_209, %broadcast_in_dim3A_183, %select_n3A_176 : vector<16xi1>, vector<16xi32>
      %gather3A_212 = tpu.vector_load_idx %arg6[%broadcast_in_dim3A_183, %add3A_29] : memref<200x128xf32, #tpu.memory_space<vmem>>[vector<16xi32>, vector<16xi32>], vector<16xf32>,
      %gt3A_213 = arith.cmpf ogt, %gather3A_212, %select_n3A_179 : vector<16xf32>
      %select_n3A_214 = arith.select %gt3A_213, %gather3A_212, %select_n3A_179 : vector<16xi1>, vector<16xf32>
      %select_n3A_215 = arith.select %gt3A_213, %broadcast_in_dim3A_183, %select_n3A_180 : vector<16xi1>, vector<16xi32>
      scf.yield %select_n3A_186, %select_n3A_187, %select_n3A_190, %select_n3A_191, %select_n3A_194, %select_n3A_195, %select_n3A_198, %select_n3A_199, %select_n3A_202, %select_n3A_203, %select_n3A_206, %select_n3A_207, %select_n3A_210, %select_n3A_211, %select_n3A_214, %select_n3A_215 : vector<16xf32>, vector<16xi32>, vector<16xf32>, vector<16xi32>, vector<16xf32>, vector<16xi32>, vector<16xf32>, vector<16xi32>, vector<16xf32>, vector<16xi32>, vector<16xf32>, vector<16xi32>, vector<16xf32>, vector<16xi32>, vector<16xf32>, vector<16xi32>
    }
    %scan3A_40 = arith.constant 200 : i32
    %gather3A = tpu.vector_load_idx %arg5[%scan3A_39#1] : memref<200xf32, #tpu.memory_space<vmem>>[vector<16xi32>], vector<16xf32>,
    %swap3A = arith.constant 0 : index
    %swap3A_41 = tpu.vector_load %arg7[%swap3A] {strides = array<i32>} : memref<128xf32, #tpu.memory_space<vmem>>, vector<16xf32>,
    tpu.vector_store %arg7[%swap3A], %gather3A {strides = array<i32>} : memref<128xf32, #tpu.memory_space<vmem>>, vector<16xf32>,
    %gather3A_42 = tpu.vector_load_idx %arg5[%scan3A_39#3] : memref<200xf32, #tpu.memory_space<vmem>>[vector<16xi32>], vector<16xf32>,
    %swap3A_43 = arith.constant 16 : index
    %swap3A_44 = tpu.vector_load %arg7[%swap3A_43] {strides = array<i32>} : memref<128xf32, #tpu.memory_space<vmem>>, vector<16xf32>,
    tpu.vector_store %arg7[%swap3A_43], %gather3A_42 {strides = array<i32>} : memref<128xf32, #tpu.memory_space<vmem>>, vector<16xf32>,
    %gather3A_45 = tpu.vector_load_idx %arg5[%scan3A_39#5] : memref<200xf32, #tpu.memory_space<vmem>>[vector<16xi32>], vector<16xf32>,
    %swap3A_46 = arith.constant 32 : index
    %swap3A_47 = tpu.vector_load %arg7[%swap3A_46] {strides = array<i32>} : memref<128xf32, #tpu.memory_space<vmem>>, vector<16xf32>,
    tpu.vector_store %arg7[%swap3A_46], %gather3A_45 {strides = array<i32>} : memref<128xf32, #tpu.memory_space<vmem>>, vector<16xf32>,
    %gather3A_48 = tpu.vector_load_idx %arg5[%scan3A_39#7] : memref<200xf32, #tpu.memory_space<vmem>>[vector<16xi32>], vector<16xf32>,
    %swap3A_49 = arith.constant 48 : index
    %swap3A_50 = tpu.vector_load %arg7[%swap3A_49] {strides = array<i32>} : memref<128xf32, #tpu.memory_space<vmem>>, vector<16xf32>,
    tpu.vector_store %arg7[%swap3A_49], %gather3A_48 {strides = array<i32>} : memref<128xf32, #tpu.memory_space<vmem>>, vector<16xf32>,
    %gather3A_51 = tpu.vector_load_idx %arg5[%scan3A_39#9] : memref<200xf32, #tpu.memory_space<vmem>>[vector<16xi32>], vector<16xf32>,
    %swap3A_52 = arith.constant 64 : index
    %swap3A_53 = tpu.vector_load %arg7[%swap3A_52] {strides = array<i32>} : memref<128xf32, #tpu.memory_space<vmem>>, vector<16xf32>,
    tpu.vector_store %arg7[%swap3A_52], %gather3A_51 {strides = array<i32>} : memref<128xf32, #tpu.memory_space<vmem>>, vector<16xf32>,
    %gather3A_54 = tpu.vector_load_idx %arg5[%scan3A_39#11] : memref<200xf32, #tpu.memory_space<vmem>>[vector<16xi32>], vector<16xf32>,
    %swap3A_55 = arith.constant 80 : index
    %swap3A_56 = tpu.vector_load %arg7[%swap3A_55] {strides = array<i32>} : memref<128xf32, #tpu.memory_space<vmem>>, vector<16xf32>,
    tpu.vector_store %arg7[%swap3A_55], %gather3A_54 {strides = array<i32>} : memref<128xf32, #tpu.memory_space<vmem>>, vector<16xf32>,
    %gather3A_57 = tpu.vector_load_idx %arg5[%scan3A_39#13] : memref<200xf32, #tpu.memory_space<vmem>>[vector<16xi32>], vector<16xf32>,
    %swap3A_58 = arith.constant 96 : index
    %swap3A_59 = tpu.vector_load %arg7[%swap3A_58] {strides = array<i32>} : memref<128xf32, #tpu.memory_space<vmem>>, vector<16xf32>,
    tpu.vector_store %arg7[%swap3A_58], %gather3A_57 {strides = array<i32>} : memref<128xf32, #tpu.memory_space<vmem>>, vector<16xf32>,
    %gather3A_60 = tpu.vector_load_idx %arg5[%scan3A_39#15] : memref<200xf32, #tpu.memory_space<vmem>>[vector<16xi32>], vector<16xf32>,
    %swap3A_61 = arith.constant 112 : index
    %swap3A_62 = tpu.vector_load %arg7[%swap3A_61] {strides = array<i32>} : memref<128xf32, #tpu.memory_space<vmem>>, vector<16xf32>,
    tpu.vector_store %arg7[%swap3A_61], %gather3A_60 {strides = array<i32>} : memref<128xf32, #tpu.memory_space<vmem>>, vector<16xf32>,
    "tpu.region"() ({
      %run_scoped3A = tpu.sem_alloc : memref<!tpu.dma_semaphore, #tpu.memory_space<semaphore_mem>>
      %dma_start3A_63 = tpu.memref_slice %arg4[%mul3A_2] : memref<4096xf32, #tpu.memory_space<hbm>> -> memref<128xf32, #tpu.memory_space<hbm>>
      %dma_start3A_64 = tpu.memref_slice %arg4[%mul3A_2] : memref<4096xf32, #tpu.memory_space<hbm>> -> memref<128xf32, #tpu.memory_space<hbm>>
      tpu.enqueue_dma source(%arg7 : memref<128xf32, #tpu.memory_space<vmem>>) target(%dma_start3A_64 : memref<128xf32, #tpu.memory_space<hbm>>) target_semaphore(%run_scoped3A : memref<!tpu.dma_semaphore, #tpu.memory_space<semaphore_mem>>)
      %dma_wait3A_65 = tpu.memref_slice %arg4[%mul3A_2] : memref<4096xf32, #tpu.memory_space<hbm>> -> memref<128xf32, #tpu.memory_space<hbm>>
      %dma_wait3A_66 = tpu.memref_slice %arg4[%mul3A_2] : memref<4096xf32, #tpu.memory_space<hbm>> -> memref<128xf32, #tpu.memory_space<hbm>>
      tpu.wait_dma2 semaphore(%run_scoped3A : memref<!tpu.dma_semaphore, #tpu.memory_space<semaphore_mem>>) src(%arg7 : memref<128xf32, #tpu.memory_space<vmem>>) dst(%dma_wait3A_66 : memref<128xf32, #tpu.memory_space<hbm>>)
      tpu.yield
    }) : () -> ()
    return
  }
}

module attributes {stable_mosaic.version = 14 : i64} {
  func.func @_tc_body(%arg0: i32, %arg1: memref<200x4096xf32, #tpu.memory_space<vmem>>, %arg2: memref<200x1xf32, #tpu.memory_space<vmem>>, %arg3: memref<1x4096xf32, #tpu.memory_space<vmem>>) attributes {dimension_semantics = [#tpu.dimension_semantics<arbitrary>], iteration_bounds = array<i64: 3>, scalar_prefetch = 0 : i64, scratch_operands = 0 : i64, tpu.core_type = #tpu.core_type<tc>, window_params = [{transform_indices = @transform_0, window_bounds = array<i64: 200, 4096>}, {pipeline_mode = #tpu.pipeline_mode<synchronous>, transform_indices = @transform_1, window_bounds = array<i64: 200, 1>}, {transform_indices = @transform_2, window_bounds = array<i64: 1, 4096>}]} {
    %get3A = arith.constant 0 : index
    %get3A_0 = arith.constant 0 : index
    %get3A_1 = vector.load %arg1[%get3A, %get3A_0] : memref<200x4096xf32, #tpu.memory_space<vmem>>, vector<200x4096xf32>
    %reduce_max3A = arith.constant dense<0xFF800000> : vector<4096xf32>
    %reduce_max3A_2 = vector.multi_reduction <maximumf>, %get3A_1, %reduce_max3A [0] : vector<200x4096xf32> to vector<4096xf32>
    %broadcast_in_dim3A = vector.shape_cast %reduce_max3A_2 : vector<4096xf32> to vector<1x4096xf32>
    %iota3A = tpu.iota {dimensions = array<i32: 0>} : vector<200x4096xi32>
    %eq3A = vector.broadcast %broadcast_in_dim3A : vector<1x4096xf32> to vector<200x4096xf32>
    %eq3A_3 = arith.cmpf oeq, %get3A_1, %eq3A : vector<200x4096xf32>
    %jit3A = arith.constant 200 : i32
    %broadcast_in_dim3A_4 = vector.broadcast %jit3A : i32 to vector<200x4096xi32>
    %select_n3A = arith.select %eq3A_3, %iota3A, %broadcast_in_dim3A_4 : vector<200x4096xi1>, vector<200x4096xi32>
    %reduce_min3A = arith.constant dense<2147483647> : vector<4096xi32>
    %reduce_min3A_5 = vector.multi_reduction <minsi>, %select_n3A, %reduce_min3A [0] : vector<200x4096xi32> to vector<4096xi32>
    %broadcast_in_dim3A_6 = vector.shape_cast %reduce_min3A_5 : vector<4096xi32> to vector<1x4096xi32>
    %get3A_7 = arith.constant 0 : index
    %get3A_8 = arith.constant 0 : index
    %get3A_9 = vector.load %arg2[%get3A_7, %get3A_8] : memref<200x1xf32, #tpu.memory_space<vmem>>, vector<200x1xf32>
    %eq3A_10 = vector.broadcast %broadcast_in_dim3A_6 : vector<1x4096xi32> to vector<200x4096xi32>
    %eq3A_11 = arith.cmpi eq, %iota3A, %eq3A_10 : vector<200x4096xi32>
    %jit3A_12 = arith.constant 0xFF800000 : f32
    %broadcast_in_dim3A_13 = vector.shape_cast %get3A_9 : vector<200x1xf32> to vector<200x1xf32>
    %broadcast_in_dim3A_14 = vector.broadcast %broadcast_in_dim3A_13 : vector<200x1xf32> to vector<200x4096xf32>
    %broadcast_in_dim3A_15 = vector.broadcast %jit3A_12 : f32 to vector<200x4096xf32>
    %select_n3A_16 = arith.select %eq3A_11, %broadcast_in_dim3A_14, %broadcast_in_dim3A_15 : vector<200x4096xi1>, vector<200x4096xf32>
    %reduce_max3A_17 = arith.constant dense<0xFF800000> : vector<4096xf32>
    %reduce_max3A_18 = vector.multi_reduction <maximumf>, %select_n3A_16, %reduce_max3A_17 [0] : vector<200x4096xf32> to vector<4096xf32>
    %broadcast_in_dim3A_19 = vector.shape_cast %reduce_max3A_18 : vector<4096xf32> to vector<1x4096xf32>
    %swap3A = arith.constant 0 : index
    %swap3A_20 = arith.constant 0 : index
    %swap3A_21 = vector.load %arg3[%swap3A, %swap3A_20] : memref<1x4096xf32, #tpu.memory_space<vmem>>, vector<1x4096xf32>
    tpu.vector_store %arg3[%swap3A, %swap3A_20], %broadcast_in_dim3A_19 {strides = array<i32>} : memref<1x4096xf32, #tpu.memory_space<vmem>>, vector<1x4096xf32>,
    return
  }
  func.func @transform_0(%arg0: i32) -> (i32, i32) {
    %add3A = arith.constant 1 : i32
    %add3A_0 = arith.addi %arg0, %add3A : i32
    %c0_i32 = arith.constant 0 : i32
    %c0_i32_1 = arith.constant 0 : i32
    return %c0_i32, %add3A_0 : i32, i32
  }
  func.func @transform_1(%arg0: i32) -> (i32, i32) {
    %c0_i32 = arith.constant 0 : i32
    %c0_i32_0 = arith.constant 0 : i32
    %c0_i32_1 = arith.constant 0 : i32
    return %c0_i32, %c0_i32_0 : i32, i32
  }
  func.func @transform_2(%arg0: i32) -> (i32, i32) {
    %c0_i32 = arith.constant 0 : i32
    %c0_i32_0 = arith.constant 0 : i32
    return %c0_i32, %arg0 : i32, i32
  }
}

</mosaic_0001>

<sc_bundles>
// kernel: kernel.4.cloned.1.call-start
scs
__scs_entry_jumppad:
0x0: {  	(pc) =	sbr.rel $0x88, $3  }
0x1: {  	(tag) =	ssettag $0x0;
	lr =	simm.s32 $0x1  }
0x2: {  	[smem:$0x3F9F] =	sst lr;
	_ =	strace $0xD0000000  }
0x3: {  	_ = 	snop  }
0x4: {  	_ = 	snop  }
0x5: {  	_ = 	snop  }
0x6: {  	_ = 	snop  }
0x7: {  	_ = 	snop  }
__scs_overlays_trampoline_lowered:
0x8: {  	[smem:$0x3FAE] =	sst s0  }
0x9: {  	[smem:$0x3FAF] =	sst s1  }
0xa: {  	[smem:$0x3FB0] =	sst s2  }
0xb: {  	[smem:$0x3FB1] =	sst s3  }
0xc: {  	[smem:$0x3FB2] =	sst s4  }
0xd: {  	[smem:$0x3FB3] =	sst s5  }
0xe: {  	[smem:$0x3FB4] =	sst s6  }
0xf: {  	[smem:$0x3FB5] =	sst s7  }
0x10: {  	[smem:$0x3FB6] =	sst s8  }
0x11: {  	[smem:$0x3FB7] =	sst s9;
	s0 =	simm.s32 @!p0 $0x0  }
0x12: {  	s1 =	sld [smem:$0x3F9D];
	s0 =	simm.s32 @p0 $0x1  }
0x13: {  	[smem:$0x3FB8] =	sst s0;
	s0 =	simm.s32 @!p1 $0x0  }
0x14: {  	s2 =	sld [smem:$0x3F9C];
	s0 =	simm.s32 @p1 $0x1  }
0x15: {  	[smem:$0x3FB9] =	sst s0;
	s0 =	simm.s32 @!p2 $0x0  }
0x16: {  	s3 =	sld [smem:$0x3FDB];
	s0 =	simm.s32 @p2 $0x1  }
0x17: {  	s4 =	simm.s32 $0x1BF5;
	[smem:$0x3FBB] =	sst s0  }
0x18: {  	s0 =	sld [smem:$0x3F9E];
	_ =	swait.ge [sflag:s4], $0x0  }
0x19: {  	s7 =	sld [smem:$0x3F9F]  }
0x1a: {  	s8 =	sadd.s32 $0xFFFFE003, lr  }
0x1b: {  	s9 =	sadd.s32 $0xFFFFFEF7, lr;
	s5 =	simm.s32 $0xFFFFFFFF;
	p2 =	slt.u32 s8, $0xFFFFF086  }
0x1c: {  	p1 =	slt.u32 s9, $0xF7A;
	s5 =	simm.s32 @!p2 $0x0  }
0x1d: {  	s5 =	simm.s32 @p1 $0x1;
	p0 =	seq.s32 s7, s2  }
0x1e: {  	s7 =	smul.u32 @!p0 $0xF7A, s2;
	p2 =	seq.s32 @!p0 s5, $0x0  }
0x1f: {  	s9 =	smul.u32 $0xF7A, s1;
	s8 =	simm.s32 @!p0 $0x1BF5;
	p2 =	por !p2, p0  }
0x20: {  	[sflag:s8] =	ssyncset.s32 @!p0 $0xFFFFF086;
	s6 =	sadd.s32 @!p0 s3, s7;
	s7 =	simm.s32 @!p0 $0x108  }
0x21: {  	s3 =	sadd.s32 s3, s9;
	s6 =	sadd.s32 @!p0 $0x88, s6;
	s7 =	simm.s32 @p2 $0x1082  }
0x22: {  	[simem:s7], [sflag:s8] =	dma.local @!p0 [hbm:s6], $0xF7A  }
0x23: {  	s9 =	sor.u32 $0xD0000000, s2;
	s6 =	simm.s32 $0x108;
	_ =	swait.ge @!p0 [sflag:s8], $0x0  }
0x24: {  	s3 =	sadd.s32 $0x88, s3;
	s6 =	simm.s32 @!p1 $0x1082;
	[sflag:s4] =	ssyncset.s32 $0xFFFFF086  }
0x25: {  	[simem:s6], [sflag:s4] =	dma.local [hbm:s3], $0xF7A  }
0x26: {  	[smem:$0x3F9F] =	sst s1;
	(tag) =	ssettag s2;
	_ =	strace s9  }
0x27: {  	s1 =	sld [smem:$0x3FAF]  }
0x28: {  	s2 =	sld [smem:$0x3FB0]  }
0x29: {  	s4 =	sld [smem:$0x3FB2]  }
0x2a: {  	p0 =	seq.s32 s5, $0x0;
	s5 =	sld [smem:$0x3FB3]  }
0x2b: {  	s6 =	sld [smem:$0x3FB4]  }
0x2c: {  	s7 =	sld [smem:$0x3FB5]  }
0x2d: {  	s3 =	simm.s32 $0x108;
	s8 =	sld [smem:$0x3FB6]  }
0x2e: {  	s3 =	simm.s32 @!p0 $0x1082;
	s9 =	sld [smem:$0x3FB7]  }
0x2f: {  	lr =	sadd.s32 s0, s3;
	s0 =	sld [smem:$0x3FAE]  }
0x30: {  	s3 =	sld [smem:$0x3FB1]  }
0x31: {  	[smem:$0x3FBA] =	sst s10  }
0x32: {  	s10 =	sld [smem:$0x3FB8];
	_ =	sdelay $0x3  }
0x33: {  	p0 =	seq.s32 s10, $0x1;
	s10 =	sld [smem:$0x3FBA];
	_ =	sdelay $0x3  }
0x34: {  	[smem:$0x3FBA] =	sst s10  }
0x35: {  	s10 =	sld [smem:$0x3FB9];
	_ =	sdelay $0x3  }
0x36: {  	p1 =	seq.s32 s10, $0x1;
	s10 =	sld [smem:$0x3FBA];
	_ =	sdelay $0x3  }
0x37: {  	[smem:$0x3FBA] =	sst s10  }
0x38: {  	s10 =	sld [smem:$0x3FBB]  }
0x39: {  	_ = 	snop;
	(pc) =	sbr.ind lr, $3  }
0x3a: {  	_ = 	snop  }
0x3b: {  	_ = 	snop  }
0x3c: {  	p2 =	seq.s32 s10, $0x1;
	s10 =	sld [smem:$0x3FBA]  }
0x3d: {  	_ =	shalt  }
0x3e: {  	_ =	shalt  }
0x3f: {  	_ =	shalt  }
0x40: {  	_ =	shalt  }
0x41: {  	_ =	shalt  }
0x42: {  	_ =	shalt  }
0x43: {  	_ =	shalt  }
0x44: {  	_ =	shalt  }
0x45: {  	_ =	shalt  }
0x46: {  	_ =	shalt  }
0x47: {  	_ =	shalt  }
0x48: {  	_ =	shalt  }
0x49: {  	_ =	shalt  }
0x4a: {  	_ =	shalt  }
0x4b: {  	_ =	shalt  }
0x4c: {  	_ =	shalt  }
0x4d: {  	_ =	shalt  }
0x4e: {  	_ =	shalt  }
0x4f: {  	_ =	shalt  }
0x50: {  	_ =	shalt  }
0x51: {  	_ =	shalt  }
0x52: {  	_ =	shalt  }
0x53: {  	_ =	shalt  }
0x54: {  	_ =	shalt  }
0x55: {  	_ =	shalt  }
0x56: {  	_ =	shalt  }
0x57: {  	_ =	shalt  }
0x58: {  	_ =	shalt  }
0x59: {  	_ =	shalt  }
0x5a: {  	_ =	shalt  }
0x5b: {  	_ =	shalt  }
0x5c: {  	_ =	shalt  }
0x5d: {  	_ =	shalt  }
0x5e: {  	_ =	shalt  }
0x5f: {  	_ =	shalt  }
0x60: {  	_ =	shalt  }
0x61: {  	_ =	shalt  }
0x62: {  	_ =	shalt  }
0x63: {  	_ =	shalt  }
0x64: {  	_ =	shalt  }
0x65: {  	_ =	shalt  }
0x66: {  	_ =	shalt  }
0x67: {  	_ =	shalt  }
0x68: {  	_ =	shalt  }
0x69: {  	_ =	shalt  }
0x6a: {  	_ =	shalt  }
0x6b: {  	_ =	shalt  }
0x6c: {  	_ =	shalt  }
0x6d: {  	_ =	shalt  }
0x6e: {  	_ =	shalt  }
0x6f: {  	_ =	shalt  }
0x70: {  	_ =	shalt  }
0x71: {  	_ =	shalt  }
0x72: {  	_ =	shalt  }
0x73: {  	_ =	shalt  }
0x74: {  	_ =	shalt  }
0x75: {  	_ =	shalt  }
0x76: {  	_ =	shalt  }
0x77: {  	_ =	shalt  }
0x78: {  	_ =	shalt  }
0x79: {  	_ =	shalt  }
0x7a: {  	_ =	shalt  }
0x7b: {  	_ =	shalt  }
0x7c: {  	_ =	shalt  }
0x7d: {  	_ =	shalt  }
0x7e: {  	_ =	shalt  }
0x7f: {  	_ =	shalt  }
0x80: {  	_ =	shalt  }
0x81: {  	_ =	shalt  }
0x82: {  	_ =	shalt  }
0x83: {  	_ =	shalt  }
0x84: {  	_ =	shalt  }
0x85: {  	_ =	shalt  }
0x86: {  	_ =	shalt  }
0x87: {  	_ =	shalt  }
.Lfunc_end0:
.L_simem_size_0:
called_computation_lowered:
.L_overlay_start_0:
0x88: {  	s2 =	sld [smem:$0x3FD9]  }
0x89: {  	s3 =	sld [smem:$0x3FFE];
	_ =	sdelay $0x1  }
0x8a: {  	s1 =	srdreg.scid  }
0x8b: {  	s0 =	sand.u32 $0x1, s1  }
0x8c: {  	s17 =	sshll.u32 s0, $0xA;
	s2 =	sadd.s32 s3, s2  }
0x8d: {  	s2 =	sadd.s32 s2, s17  }
0x8e: {  	[smem:$0x3FC6] =	sst s2  }
0x8f: {  	_ = 	snop  }
0x90: {  	s2 =	sld [smem:$0x3FC9]  }
0x91: {  	s18 =	sld [smem:$0x3FC8];
	(tm) =	ssettm $0x1  }
0x92: {  	s4 =	sld [smem:$0x3FFB];
	_ =	sdelay $0x3  }
0x93: {  	_ =	strace s4  }
0x94: {  	s4 =	sld [smem:$0x3FFC];
	_ =	sdelay $0x3  }
0x95: {  	_ =	strace s4  }
0x96: {  	s4 =	sld [smem:$0x3FFD];
	_ =	sdelay $0x3  }
0x97: {  	_ =	strace s4  }
0x98: {  	_ =	strace $0x8FFFFFFF  }
0x99: {  	s19 =	sld [smem:$0x3FDB];
	_ =	sdelay $0x1  }
0x9a: {  	s5 =	simm.s32 $_scs_section_size  }
0x9b: {  	s6 =	simm.s32 $_size__tile_overlayer_lowered;
	s7 =	simm.s32 $_tile_overlayer_lowered  }
0x9c: {  	s22 =	simm.s32 $0x1BFF;
	s21 =	sshll.u32 s7, $0x1;
	s4 =	sadd.s32 s5, s19  }
0x9d: {  	s8 =	simm.s32 $0x0;
	s20 =	sshll.u32 s6, $0x1;
	s6 =	sadd.s32 s21, s4  }
0x9e: {  	[timem:s8], [sflag:s22] =	dma.local [hbm:s6], s20  }
0x9f: {  	_ =	swait.ge [sflag:s22], s20  }
0xa0: {  	s5 =	ssub.s32 $0x0, s20;
	[sflag:s22] =	ssyncset.done $0x0  }
0xa1: {  	[sflag:s22] =	ssyncadd.s32 s5;
	_ =	sdelay $0x1  }
0xa2: {  	s23 =	simm.s32 $0x1B8B  }
0xa3: {  	_ =	swait.ge [sflag:s23], $0x1  }
0xa4: {  	[sflag:s23] =	ssyncset.done $0x0  }
0xa5: {  	s25 =	simm.s32 $0x1B8E;
	s24 =	sld [smem:$0x3FFE];
	[sflag:s23] =	ssyncadd.s32 $0xFFFFFFFF  }
0xa6: {  	s26 =	simm.s32 $execute0_lowered;
	[smem:$0x3FD2] =	sst s25  }
0xa7: {  	s6 =	sshll.u32 s26, $0x1;
	_ =	strace $0x80000046;
	[dreg:$0x1] =	wrdreg $0xFFFFFFFF  }
0xa8: {  	s28 =	simm.s32 $_size_execute0_lowered;
	s4 =	sadd.s32 s4, s6;
	[dreg:$0x0] =	wrdreg $0x0  }
0xa9: {  	s6 =	sshll.u32 s28, $0x1;
	[dreg:$0x2] =	wrdreg s4  }
0xaa: {  	[dreg:$0x3] =	wrdreg s6  }
0xab: {  	[dreg:$0x4] =	wrdreg $0xC0  }
0xac: {  	_ =	task [dreg:s8], $0x5FFFF  }
0xad: {  	[dreg:$0x1] =	wrdreg $0xFFFFFFFF  }
0xae: {  	[dreg:$0x0] =	wrdreg $0x60  }
0xaf: {  	[dreg:$0x2] =	wrdreg s2  }
0xb0: {  	[dreg:$0x3] =	wrdreg s18  }
0xb1: {  	[dreg:$0x4] =	wrdreg s24  }
0xb2: {  	[dreg:$0x5] =	wrdreg $0x9  }
0xb3: {  	_ =	task.clear_ibuf [dreg:s8], $0x6FFFF;
	_ =	strace $0x90000046  }
0xb4: {  	s29 =	simm.s32 $0x9;
	_ =	strace $0x80000048  }
0xb5: {  	_ =	swait.ge [sflag:s29], $0x1  }
0xb6: {  	[sflag:s29] =	ssyncadd.s32 $0xFFFFFFFF  }
0xb7: {  	_ =	strace $0x90000048  }
0xb8: {  	_ =	sfence  }
0xb9: {  	s30 =	sld [smem:$0x0];
	_ =	sdelay $0x2  }
0xba: {  	s31 =	sshll.u32 s1, $0xD;
	s1 =	sshrl.u32 s1, $0x2  }
0xbb: {  	s3 =	sand.u32 $0x4000, s31;
	s1 =	sadd.s32 s1, s30  }
0xbc: {  	s0 =	sor.u32 s3, s0;
	s1 =	sshll.u32 s1, $0x11  }
0xbd: {  	s0 =	sor.u32 s1, s0  }
0xbe: {  	s0 =	sadd.s32 $0x8F2B, s0  }
0xbf: {  	[sflag:s0] =	ssyncadd.remote.s32 $0x1  }
0xc0: {  	_ =	sfence.sel $0xFFFF  }
0xc1: {  	[dreg:$0x0] =	wrdreg $0xFFFFFFFF;
	(pc) =	sbr.abs _section_cstart, $3  }
0xc2: {  	[dreg:$0x1] =	wrdreg $0xFFFFFFFF  }
0xc3: {  	_ =	task.clear_ibuf [dreg:s8], $0x2FFFF;
	_ =	strace $0x9FFFFFFF  }
0xc4: {  	(tm) =	ssettm $0x7FFFFFFF  }
0xc5: {  	_ =	shalt  }
tec
execute0_lowered:
.L_overlay_start_1:
0x0: {  	(tag) =	ssettag $0x1  }
0x1: {  	s4 =	rddreg [dreg:$0x0]  }
0x2: {  	s1 =	rddreg [dreg:$0x1]  }
0x3: {  	s5 =	rddreg [dreg:$0x2]  }
0x4: {  	s0 =	rddreg [dreg:$0x3]  }
0x5: {  	s3 =	simm.s32 $0x0;
	s6 =	srdreg.scid;
	s2 =	stileid.u32  }
0x6: {  	s10 =	simm.s32 $0x2;
	s11 =	simm.s32 $0x1;
	s12 =	simm.s32 $0x6500  }
0x7: {  	s13 =	simm.s32 $0x0;
	s6 =	sand.u32 $0x1, s6;
	s7 =	sshll.u32 s2, $0x1  }
0x8: {  	[smem:$0x7FF] =	sst s3;
	s7 =	sor.u32 s6, s7;
	s6 =	ssub.s32 $0x2, s6  }
0x9: {  	v0 =	vlaneseq.u32;
	_ =	strace $0x80000047;
	s8 =	sshll.u32 s7, $0x4;
	s9 =	sshrl.u32 s6, $0x1  }
0xa: {  	v1 =	vor.u32 $0x10, v0;
	s7 =	sshll.u32 s7, $0x7;
	s5 =	sadd.s32 s8, s5;
	s6 =	ssub.s32 s6, s9  }
0xb: {  	v2 =	vor.u32 $0x20, v0;
	v3 =	vor.u32 $0x30, v0;
	v4 =	vor.u32 $0x40, v0;
	s4 =	sadd.s32 s4, s7;
	s7 =	simm.s32 $0x400;
	s8 =	simm.s32 $0x20000  }
0xc: {  	v5 =	vor.u32 $0x50, v0;
	v6 =	vor.u32 $0x60, v0;
	v7 =	vor.u32 $0x70, v0;
	s9 =	simm.s32 $0x100;
	s5 =	sadd.s32 $0x800, s5;
	s6 =	smax.u32 s6, $0x1  }
.LBB2_1:
0xd: {  	[tilespmem:s9], [sflag:$0x1] =	stream.strided.gather [hbm4b:s4+s7], $0x6400, s8, s7, $0x38;
	[tilespmem:$0x6580] =	vst v63  }
0xe: {  	v9 =	vmov s3;
	v8 =	vimm.f32 $-Inf;
	s14 =	simm.s32 $0x3;
	v10 =	vimm.s32 $0x0;
	s16 =	simm.s32 $0x2  }
0xf: {  	v35 =	vimm.s32 $0x0;
	v32 =	vimm.s32 $0x0;
	v12 =	vshll.u32 v9, $0x7;
	[tilespmem:s3], [sflag:$0x2] =	stream.linear.gather [hbm4b:s1+s3], $0x100, $0x38;
	[tilespmem:$0x6580] =	vst v63  }
0x10: {  	s15 =	simm.s32 $0x1;
	v9 =	vmov s14;
	v20 =	vmov s16;
	v14 =	vor.u32 v0, v12;
	_ =	swait.ge [sflag:s10], $0x100  }
0x11: {  	v11 =	vshll.u32 v9, $0x7;
	v9 =	vmov s15;
	v15 =	vor.u32 v2, v12;
	[sflag:s10] =	ssyncset.done $0x0  }
0x12: {  	v17 =	vor.u32 v1, v12;
	v21 =	vor.u32 v3, v12;
	v22 =	vor.u32 v4, v12;
	[sflag:s10] =	ssyncadd.s32 $0xFFFFFF00  }
0x13: {  	v26 =	vor.u32 v5, v12;
	v20 =	vshll.u32 v20, $0x7;
	v23 =	vor.u32 v7, v12;
	_ =	swait.ge [sflag:s11], $0x6400  }
0x14: {  	v12 =	vor.u32 v6, v12;
	v13 =	vor.u32 v0, v11;
	v33 =	vshll.u32 v9, $0x7;
	[sflag:s11] =	ssyncset.done $0x0  }
0x15: {  	v19 =	vor.u32 v5, v11;
	v16 =	vor.u32 v4, v11;
	v18 =	vor.u32 v0, v33;
	[sflag:s11] =	ssyncadd.s32 $0xFFFF9C00  }
0x16: {  	v25 =	vor.u32 v0, v20;
	v24 =	vor.u32 v2, v20;
	v42 =	vor.u32 v4, v20;
	v14 =	vld.idx.msk [tilespmem:v14+s9+$0x0], $0xffff  }
0x17: {  	v36 =	vor.u32 v6, v20;
	v34 =	vor.u32 v1, v20;
	v27 =	vor.u32 v5, v33;
	v15 =	vld.idx.msk [tilespmem:v15+s9+$0x0], $0xffff  }
0x18: {  	v49 =	vor.u32 v5, v20;
	v37 =	vor.u32 v3, v20;
	v41 =	vor.u32 v6, v11;
	v29 =	vld.idx.msk [tilespmem:v17+s9+$0x0], $0xffff  }
0x19: {  	v51 =	vor.u32 v1, v11;
	v44 =	vor.u32 v3, v11;
	v47 =	vor.u32 v2, v11;
	v28 =	vld.idx.msk [tilespmem:v21+s9+$0x0], $0xffff  }
0x1a: {  	v9 =	vor.u32 v7, v33;
	v38 =	vor.u32 v1, v33;
	v17 =	vld.idx.msk [tilespmem:v18+s9+$0x0], $0xffff;
	v18 =	vor.u32 v7, v20  }
0x1b: {  	v50 =	vor.u32 v4, v33;
	v43 =	vor.u32 v6, v33;
	v40 =	vor.u32 v2, v33;
	v39 =	vld.idx.msk [tilespmem:v22+s9+$0x0], $0xffff  }
0x1c: {  	v48 =	vld.idx.msk [tilespmem:v27+s9+$0x0], $0xffff;
	v22 =	vimm.f32 $-Inf;
	v21 =	vimm.s32 $0x0;
	v27 =	vimm.f32 $-Inf  }
0x1d: {  	v45 =	vld.idx.msk [tilespmem:v26+s9+$0x0], $0xffff;
	v26 =	vimm.s32 $0x0;
	v20 =	vimm.s32 $0x0;
	vm0 =	vgt.f32 v14, v8  }
0x1e: {  	v30 =	vld.idx.msk [tilespmem:v12+s9+$0x0], $0xffff;
	vm2 =	vgt.f32 v15, v8;
	vm4 =	vgt.f32 v29, v8;
	vm5 =	vgt.f32 v28, v8  }
0x1f: {  	v12 =	vld.idx.msk [tilespmem:v18+s9+$0x0], $0xffff;
	v18 =	vimm.f32 $-Inf;
	v14 =	vsel vm0, v14, v8;
	v46 =	vsel vm2, v15, v8  }
0x20: {  	v24 =	vld.idx.msk [tilespmem:v24+s9+$0x0], $0xffff;
	v52 =	vsel vm2, s3, v10;
	v15 =	vimm.f32 $-Inf;
	vm1 =	vgt.f32 v17, v14  }
0x21: {  	s18 =	simm.s32 $0x4;
	s17 =	simm.s32 $0x0;
	v49 =	vld.idx.msk [tilespmem:v49+s9+$0x0], $0xffff;
	v31 =	vsel vm1, v17, v14;
	v17 =	vimm.f32 $-Inf;
	v14 =	vimm.s32 $0x0  }
.LBB2_2:
0x22: {  	p0 =	slt.u32 s18, $0xC4;
	v53 =	vld.idx.msk [tilespmem:v40+s9+$0x0], $0xffff;
	v33 =	vor.u32 v3, v33;
	v40 =	vor.u32 v7, v11;
	s20 =	smov.u32 s18;
	s18 =	sadd.s32 $0x4, s18  }
0x23: {  	vm2 =	vgt.f32 v39, v8;
	vm3 =	vgt.f32 v45, v17;
	s19 =	sadd.s32 $0x3, s20;
	v54 =	vld.idx.msk [tilespmem:v19+s9+$0x0], $0xffff  }
0x24: {  	v17 =	vsel vm3, v45, v17;
	vm6 =	vgt.f32 v30, v15;
	v11 =	vmov s19;
	v45 =	vld.idx.msk [tilespmem:v50+s9+$0x0], $0xffff  }
0x25: {  	v10 =	vsel vm2, s17, v10;
	vm7 =	vgt.f32 v48, v17;
	v11 =	vshll.u32 v11, $0x7  }
0x26: {  	v8 =	vsel vm2, v39, v8;
	v17 =	vsel vm7, v48, v17;
	v50 =	vor.u32 v0, v11;
	v39 =	vld.idx.msk [tilespmem:v42+s9+$0x0], $0xffff  }
0x27: {  	v35 =	vsel vm3, s17, v35;
	v19 =	vor.u32 v5, v11;
	vm3 =	vgt.f32 v49, v17;
	v38 =	vld.idx.msk [tilespmem:v38+s9+$0x0], $0xffff  }
0x28: {  	v35 =	vsel vm7, s15, v35;
	vm8 =	vgt.f32 v53, v46;
	v17 =	vsel vm3, v49, v17;
	v42 =	vld.idx.msk [tilespmem:v16+s9+$0x0], $0xffff  }
0x29: {  	v32 =	vsel vm4, s17, v32;
	v48 =	vsel vm8, s15, v52;
	vm2 =	vgt.f32 v54, v17;
	v43 =	vld.idx.msk [tilespmem:v43+s9+$0x0], $0xffff  }
0x2a: {  	v16 =	vor.u32 v4, v11;
	vm7 =	vgt.f32 v45, v8;
	v17 =	vsel vm2, v54, v17;
	v33 =	vld.idx.msk [tilespmem:v33+s9+$0x0], $0xffff  }
0x2b: {  	v22 =	vsel vm5, v28, v22;
	v21 =	vsel vm5, s17, v21;
	v28 =	vsel vm8, v53, v46;
	v36 =	vld.idx.msk [tilespmem:v36+s9+$0x0], $0xffff  }
0x2c: {  	v27 =	vsel vm4, v29, v27;
	v8 =	vsel vm7, v45, v8;
	v10 =	vsel vm7, s15, v10;
	v29 =	vld.idx.msk [tilespmem:v51+s9+$0x0], $0xffff  }
0x2d: {  	v15 =	vsel vm6, v30, v15;
	vm5 =	vgt.f32 v39, v8;
	vm4 =	vgt.f32 v38, v27;
	v30 =	vld.idx.msk [tilespmem:v41+s9+$0x0], $0xffff  }
0x2e: {  	v8 =	vsel vm5, v39, v8;
	v10 =	vsel vm5, s16, v10;
	v32 =	vsel vm4, s15, v32;
	v37 =	vld.idx.msk [tilespmem:v37+s9+$0x0], $0xffff  }
0x2f: {  	v14 =	vsel vm6, s17, v14;
	vm6 =	vgt.f32 v42, v8;
	vm5 =	vgt.f32 v43, v15;
	v39 =	vld.idx.msk [tilespmem:v44+s9+$0x0], $0xffff  }
0x30: {  	v8 =	vsel vm6, v42, v8;
	v10 =	vsel vm6, s14, v10;
	v15 =	vsel vm5, v43, v15;
	v34 =	vld.idx.msk [tilespmem:v34+s9+$0x0], $0xffff  }
0x31: {  	vm6 =	vgt.f32 v33, v22;
	v14 =	vsel vm5, s15, v14;
	vm5 =	vgt.f32 v36, v15;
	v41 =	vld.idx.msk [tilespmem:v47+s9+$0x0], $0xffff  }
0x32: {  	v27 =	vsel vm4, v38, v27;
	v15 =	vsel vm5, v36, v15;
	v14 =	vsel vm5, s16, v14;
	v23 =	vld.idx.msk [tilespmem:v23+s9+$0x0], $0xffff  }
0x33: {  	v22 =	vsel vm6, v33, v22;
	v21 =	vsel vm6, s15, v21;
	vm4 =	vgt.f32 v30, v15  }
0x34: {  	vm5 =	vgt.f32 v37, v22;
	v15 =	vsel vm4, v30, v15;
	v14 =	vsel vm4, s14, v14;
	v25 =	vld.idx.msk [tilespmem:v25+s9+$0x0], $0xffff  }
0x35: {  	vm6 =	vgt.f32 v24, v28;
	v22 =	vsel vm5, v37, v22;
	v21 =	vsel vm5, s16, v21  }
0x36: {  	v24 =	vsel vm6, v24, v28;
	vm7 =	vgt.f32 v34, v27;
	vm4 =	vgt.f32 v39, v22  }
0x37: {  	v27 =	vsel vm7, v34, v27;
	v22 =	vsel vm4, v39, v22;
	v21 =	vsel vm4, s14, v21  }
0x38: {  	vm4 =	vgt.f32 v41, v24;
	vm5 =	vgt.f32 v23, v18;
	vm8 =	vgt.f32 v29, v27  }
0x39: {  	v28 =	vsel vm7, s16, v32;
	v30 =	vsel vm4, v41, v24;
	v27 =	vsel vm8, v29, v27  }
0x3a: {  	s22 =	sadd.s32 $0x1, s20;
	s21 =	sadd.s32 $0x2, s20;
	v24 =	vsel vm0, s17, v26;
	v32 =	vsel vm8, s14, v28;
	vm0 =	vgt.f32 v25, v31;
	v29 =	vld.idx.msk [tilespmem:v13+s9+$0x0], $0xffff;
	v13 =	vmovc v50  }
0x3b: {  	v37 =	vsel vm6, s16, v48;
	v26 =	vmov s22;
	v28 =	vmov s21  }
0x3c: {  	v34 =	vmov s20;
	v33 =	vshll.u32 v26, $0x7;
	v24 =	vsel vm1, s15, v24  }
0x3d: {  	v34 =	vshll.u32 v34, $0x7;
	v36 =	vor.u32 v0, v33;
	v24 =	vsel vm0, s16, v24  }
0x3e: {  	v39 =	vor.u32 v0, v34;
	v38 =	vor.u32 v1, v34;
	v20 =	vsel vm5, s17, v20;
	s17 =	smov.u32 s20  }
0x3f: {  	v41 =	vor.u32 v2, v34;
	v43 =	vor.u32 v3, v34;
	v31 =	vsel vm0, v25, v31;
	v44 =	vld.idx.msk [tilespmem:v9+s9+$0x0], $0xffff  }
0x40: {  	v45 =	vor.u32 v4, v34;
	v46 =	vor.u32 v5, v34;
	vm0 =	vgt.f32 v29, v31  }
0x41: {  	v47 =	vshll.u32 v28, $0x7;
	v9 =	vor.u32 v7, v33;
	v26 =	vsel vm0, s14, v24;
	v49 =	vld.idx.msk [tilespmem:v40+s9+$0x0], $0xffff  }
0x42: {  	v25 =	vor.u32 v0, v47;
	v24 =	vor.u32 v2, v47;
	v31 =	vsel vm0, v29, v31;
	v53 =	vld.idx.msk [tilespmem:v36+s9+$0x0], $0xffff  }
0x43: {  	v18 =	vsel vm5, v23, v18;
	v42 =	vor.u32 v4, v47;
	v29 =	vld.idx.msk [tilespmem:v38+s9+$0x0], $0xffff;
	v38 =	vor.u32 v1, v33  }
0x44: {  	v35 =	vsel vm3, s16, v35;
	v23 =	vor.u32 v7, v34;
	v51 =	vor.u32 v5, v33;
	v48 =	vld.idx.msk [tilespmem:v39+s9+$0x0], $0xffff  }
0x45: {  	v54 =	vor.u32 v6, v34;
	v50 =	vor.u32 v4, v33;
	vm0 =	vgt.f32 v44, v18;
	v52 =	vld.idx.msk [tilespmem:v41+s9+$0x0], $0xffff  }
0x46: {  	v36 =	vor.u32 v6, v47;
	v18 =	vsel vm0, v44, v18;
	v28 =	vld.idx.msk [tilespmem:v43+s9+$0x0], $0xffff;
	v43 =	vor.u32 v6, v33  }
0x47: {  	v34 =	vor.u32 v1, v47;
	v40 =	vor.u32 v2, v33;
	vm1 =	vgt.f32 v12, v18;
	v24 =	vld.idx.msk [tilespmem:v24+s9+$0x0], $0xffff  }
0x48: {  	v35 =	vsel vm2, s14, v35;
	v55 =	vor.u32 v7, v47;
	v12 =	vsel vm1, v12, v18  }
0x49: {  	v56 =	vor.u32 v5, v47;
	v18 =	vsel vm0, s15, v20;
	v20 =	vsel vm4, s14, v37;
	s15 =	smov.u32 s22;
	v39 =	vld.idx.msk [tilespmem:v45+s9+$0x0], $0xffff  }
0x4a: {  	v41 =	vor.u32 v6, v11;
	v37 =	vor.u32 v3, v47;
	vm0 =	vgt.f32 v48, v31  }
.Ltmp0:
0x4b: {  	v47 =	vsel vm1, s16, v18;
	s16 =	smov.u32 s21;
	v31 =	vsel vm0, v48, v31;
	vm2 =	vgt.f32 v52, v30;
	v45 =	vld.idx.msk [tilespmem:v46+s9+$0x0], $0xffff;
	(pc) =	sbr.rel @p0 .LBB2_2-.Ltmp0, $4  }
0x4c: {  	vm4 =	vgt.f32 v29, v27;
	vm3 =	vgt.f32 v49, v12;
	v46 =	vsel vm2, v52, v30;
	v30 =	vld.idx.msk [tilespmem:v54+s9+$0x0], $0xffff  }
0x4d: {  	v44 =	vor.u32 v3, v11;
	v18 =	vsel vm3, v49, v12;
	v48 =	vld.idx.msk [tilespmem:v51+s9+$0x0], $0xffff;
	v51 =	vor.u32 v1, v11  }
0x4e: {  	v52 =	vsel vm2, s17, v20;
	vm1 =	vgt.f32 v53, v31;
	v20 =	vsel vm3, s14, v47;
	s14 =	smov.u32 s19;
	v12 =	vld.idx.msk [tilespmem:v55+s9+$0x0], $0xffff  }
0x4f: {  	vm5 =	vgt.f32 v28, v22;
	v47 =	vor.u32 v2, v11;
	v31 =	vsel vm1, v53, v31;
	v49 =	vld.idx.msk [tilespmem:v56+s9+$0x0], $0xffff  }
0x50: {  	_ =	sdelay $0x3  }
0x51: {  	v40 =	vld.idx.msk [tilespmem:v40+s9+$0x0], $0xffff  }
0x52: {  	v19 =	vld.idx.msk [tilespmem:v19+s9+$0x0], $0xffff  }
0x53: {  	v25 =	vld.idx.msk [tilespmem:v25+s9+$0x0], $0xffff  }
0x54: {  	v50 =	vld.idx.msk [tilespmem:v50+s9+$0x0], $0xffff  }
0x55: {  	v13 =	vld.idx.msk [tilespmem:v13+s9+$0x0], $0xffff  }
0x56: {  	v42 =	vld.idx.msk [tilespmem:v42+s9+$0x0], $0xffff  }
0x57: {  	v38 =	vld.idx.msk [tilespmem:v38+s9+$0x0], $0xffff  }
0x58: {  	v16 =	vld.idx.msk [tilespmem:v16+s9+$0x0], $0xffff;
	v26 =	vsel vm0, s17, v26;
	vm13 =	vgt.f32 v25, v31  }
0x59: {  	v34 =	vld.idx.msk [tilespmem:v34+s9+$0x0], $0xffff;
	v26 =	vsel vm1, s15, v26;
	v25 =	vsel vm13, v25, v31  }
0x5a: {  	v43 =	vld.idx.msk [tilespmem:v43+s9+$0x0], $0xffff;
	v26 =	vsel vm13, s16, v26;
	vm14 =	vgt.f32 v13, v25  }
0x5b: {  	v58 =	vsel vm4, v29, v27;
	v59 =	vld.idx.msk [tilespmem:v51+s9+$0x0], $0xffff;
	v26 =	vsel vm14, s14, v26  }
0x5c: {  	v60 =	vld.idx.msk [tilespmem:v36+s9+$0x0], $0xffff;
	vm15 =	vgt.f32 v38, v58  }
0x5d: {  	v61 =	vld.idx.msk [tilespmem:v41+s9+$0x0], $0xffff;
	v13 =	vsel vm15, v38, v58  }
0x5e: {  	v33 =	vor.u32 v3, v33;
	v32 =	vsel vm4, s17, v32;
	v62 =	vld.idx.msk [tilespmem:v37+s9+$0x0], $0xffff;
	vm4 =	vgt.f32 v34, v13  }
0x5f: {  	v63 =	vld.idx.msk [tilespmem:v44+s9+$0x0], $0xffff;
	v32 =	vsel vm15, s15, v32;
	v13 =	vsel vm4, v34, v13  }
0x60: {  	v11 =	vor.u32 v7, v11;
	v41 =	vsel vm4, s16, v32;
	vm6 =	vgt.f32 v59, v13;
	v44 =	vld.idx.msk [tilespmem:v26+s3+$0x0], $0xffff  }
0x61: {  	v47 =	vld.idx.msk [tilespmem:v47+s9+$0x0], $0xffff;
	v13 =	vsel vm6, s14, v41  }
0x62: {  	v23 =	vld.idx.msk [tilespmem:v23+s9+$0x0], $0xffff;
	vm7 =	vgt.f32 v40, v46  }
0x63: {  	v57 =	vld.idx.msk [tilespmem:v33+s9+$0x0], $0xffff;
	v51 =	vsel vm7, v40, v46  }
0x64: {  	v9 =	vld.idx.msk [tilespmem:v9+s9+$0x0], $0xffff;
	vm8 =	vgt.f32 v24, v51  }
0x65: {  	v11 =	vld.idx.msk [tilespmem:v11+s9+$0x0], $0xffff;
	v52 =	vsel vm7, s15, v52;
	v24 =	vsel vm8, v24, v51;
	[tilespmem:$0x6500] =	vst v44  }
0x66: {  	v53 =	vsel vm8, s16, v52;
	vm9 =	vgt.f32 v47, v24;
	v13 =	vld.idx.msk [tilespmem:v13+s3+$0x0], $0xffff  }
0x67: {  	v22 =	vsel vm5, v28, v22;
	v24 =	vsel vm9, s14, v53  }
0x68: {  	vm10 =	vgt.f32 v57, v22  }
0x69: {  	v22 =	vsel vm10, v57, v22  }
0x6a: {  	v21 =	vsel vm5, s17, v21;
	vm11 =	vgt.f32 v62, v22  }
0x6b: {  	v21 =	vsel vm10, s15, v21;
	v22 =	vsel vm11, v62, v22;
	[tilespmem:$0x6510] =	vst v13  }
0x6c: {  	vm12 =	vgt.f32 v39, v8;
	v54 =	vsel vm11, s16, v21;
	vm13 =	vgt.f32 v63, v22;
	v55 =	vld.idx.msk [tilespmem:v24+s3+$0x0], $0xffff  }
0x6d: {  	v8 =	vsel vm12, v39, v8;
	v13 =	vsel vm13, s14, v54  }
0x6e: {  	vm14 =	vgt.f32 v50, v8  }
0x6f: {  	v8 =	vsel vm14, v50, v8  }
0x70: {  	v10 =	vsel vm12, s17, v10;
	vm15 =	vgt.f32 v42, v8  }
0x71: {  	v10 =	vsel vm14, s15, v10;
	v8 =	vsel vm15, v42, v8;
	[tilespmem:$0x6520] =	vst v55  }
0x72: {  	vm4 =	vgt.f32 v45, v17;
	v10 =	vsel vm15, s16, v10;
	vm5 =	vgt.f32 v16, v8;
	v8 =	vld.idx.msk [tilespmem:v13+s3+$0x0], $0xffff  }
0x73: {  	v56 =	vsel vm4, v45, v17;
	v10 =	vsel vm5, s14, v10  }
0x74: {  	vm6 =	vgt.f32 v48, v56  }
0x75: {  	v13 =	vsel vm6, v48, v56  }
0x76: {  	v57 =	vsel vm4, s17, v35;
	vm7 =	vgt.f32 v49, v13  }
0x77: {  	v16 =	vsel vm6, s15, v57;
	v13 =	vsel vm7, v49, v13;
	[tilespmem:$0x6530] =	vst v8  }
0x78: {  	vm8 =	vgt.f32 v30, v15;
	vm2 =	vgt.f32 v19, v13;
	v8 =	vsel vm7, s16, v16;
	v10 =	vld.idx.msk [tilespmem:v10+s3+$0x0], $0xffff  }
0x79: {  	v58 =	vsel vm8, v30, v15;
	v8 =	vsel vm2, s14, v8  }
0x7a: {  	vm9 =	vgt.f32 v43, v58  }
0x7b: {  	v13 =	vsel vm9, v43, v58  }
0x7c: {  	v14 =	vsel vm8, s17, v14;
	vm10 =	vgt.f32 v60, v13  }
0x7d: {  	v14 =	vsel vm9, s15, v14;
	v13 =	vsel vm10, v60, v13;
	[tilespmem:$0x6540] =	vst v10  }
0x7e: {  	vm12 =	vgt.f32 v23, v18;
	v59 =	vsel vm10, s16, v14;
	vm11 =	vgt.f32 v61, v13;
	v8 =	vld.idx.msk [tilespmem:v8+s3+$0x0], $0xffff  }
0x7f: {  	v60 =	vsel vm12, v23, v18;
	v10 =	vsel vm11, s14, v59  }
0x80: {  	vm13 =	vgt.f32 v9, v60  }
0x81: {  	v9 =	vsel vm13, v9, v60  }
0x82: {  	v61 =	vsel vm12, s17, v20;
	vm14 =	vgt.f32 v12, v9  }
0x83: {  	v62 =	vsel vm13, s15, v61;
	v9 =	vsel vm14, v12, v9;
	[tilespmem:$0x6550] =	vst v8  }
0x84: {  	vm15 =	vgt.f32 v11, v9;
	v8 =	vsel vm14, s16, v62;
	v63 =	vld.idx.msk [tilespmem:v10+s3+$0x0], $0xffff  }
0x85: {  	v8 =	vsel vm15, s14, v8;
	_ =	sdelay $0x3  }
0x86: {  	[tilespmem:$0x6560] =	vst v63  }
0x87: {  	v8 =	vld.idx.msk [tilespmem:v8+s3+$0x0], $0xffff;
	_ =	sdelay $0x2  }
0x88: {  	s13 =	sadd.s32 $0x1, s13  }
0x89: {  	p0 =	sne.s32 s13, s6  }
.Ltmp1:
0x8a: {  	[tilespmem:$0x6570] =	vst v8;
	(pc) =	sbr.rel @p0 .LBB2_1-.Ltmp1, $4  }
0x8b: {  	[hbm4b:s5+s3] =	stream.linear.scatter [tilespmem:s12], [sflag:$0x2], $0x80, $0x38;
	[tilespmem:$0x6580] =	vst v63  }
0x8c: {  	_ =	swait.ge [sflag:s10], $0x80  }
0x8d: {  	[sflag:s10] =	ssyncset.done $0x0  }
0x8e: {  	[sflag:s10] =	ssyncadd.s32 $0xFFFFFF80  }
0x8f: {  	_ =	sfence.sel $0x180000  }
0x90: {  	[bflag:$0x0] =	sbarrier.arrive $0xFFFF  }
0x91: {  	p0 =	sne.s32 s2, $0x0;
	_ =	strace $0x90000047  }
0x92: {  	s0 =	sadd.s32 @!p0 $0x100000, s0;
	[bflag:$0x2] =	sbarrier.arrive $0xFFFF  }
0x93: {  	[sflag:s0] =	ssyncadd.tile.s32 @!p0 $0x1;
	_ =	shalt  }
.Lfunc_end2:
_tile_overlayer_lowered:
.L_overlay_start_2:
0x94: {  	(tag) =	ssettag $0x2  }
0x95: {  	s0 =	rddreg [dreg:$0x0];
	s2 =	stileid.u32  }
0x96: {  	s1 =	rddreg [dreg:$0x1];
	p0 =	sne.s32 s2, $0x0  }
0x97: {  	s3 =	rddreg [dreg:$0x2];
	[bflag:$0x3] =	sbarrier.arrive $0xFFFF;
	s2 =	simm.s32 @!p0 $0x1C02  }
0x98: {  	[timem:s3], [sflag:s2] =	dma.local @!p0 [hbm:s0], s1  }
0x99: {  	s0 =	simm.s32 @!p0 $0x2  }
0x9a: {  	_ =	swait.ge @!p0 [sflag:s0], s1  }
0x9b: {  	s1 =	ssub.s32 @!p0 $0x0, s1;
	[sflag:s0] =	ssyncset.done @!p0 $0x0  }
0x9c: {  	[sflag:s0] =	ssyncadd.s32 @!p0 s1  }
0x9d: {  	[bflag:$0x3] =	sbarrier.arrive $0xFFFF  }
0x9e: {  	_ =	shalt  }

</sc_bundles>
